<compile_context>
chip_gen: v7x
topology: tpu7x:2x2x1
jax: 0.10.2.dev20260603
libtpu: 0.0.44.dev20260713+nightly
codegen_flags: <defaults>
</compile_context>

<pallas_src>
import functools

import jax
import jax.numpy as jnp
from jax import lax
from jax.experimental import pallas as pl
from jax.experimental.pallas import tpu as pltpu
from jax.experimental.pallas import tpu_sc as plsc

NC = 2
NS = 16
NW = NC * NS
L = 16

N_ROWS = 4096
D = 512
N_TRIP = 16384
TPT = N_TRIP // NW
GRP = TPT // L
BM = 512
NB = N_ROWS // BM
IDX_CH = 128



def _mm_body(x_ref, g_ref, n_ref, xb_scr):
    i = pl.program_id(0)

    @pl.when(i == 0)
    def _():
        xf = x_ref[...]
        xb_scr[...] = xf.astype(jnp.bfloat16)
        n_ref[...] = jnp.sum(xf * xf, axis=1).reshape(N_ROWS // 128, 128)

    res = lax.dot_general(
        xb_scr[pl.ds(i * BM, BM), :], xb_scr[...],
        (((1,), (1,)), ((), ())),
        preferred_element_type=jnp.float32)
    g_ref[...] = res.reshape(BM, N_ROWS // 128, 128)


def _matmul_norms(x):
    return pl.pallas_call(
        _mm_body,
        grid=(NB,),
        in_specs=[pl.BlockSpec((N_ROWS, D), lambda i: (0, 0))],
        out_specs=[
            pl.BlockSpec((BM, N_ROWS // 128, 128), lambda i: (i, 0, 0)),
            pl.BlockSpec((N_ROWS // 128, 128), lambda i: (0, 0)),
        ],
        out_shape=[
            jax.ShapeDtypeStruct((N_ROWS, N_ROWS // 128, 128), jnp.float32),
            jax.ShapeDtypeStruct((N_ROWS // 128, 128), jnp.float32),
        ],
        scratch_shapes=[pltpu.VMEM((N_ROWS, D), jnp.bfloat16)],
    )(x)



def _sc_diff_body(g_hbm, n_hbm, t_hbm, out_hbm,
                  n_v, tv_v, iv_v, jv_v, kv_v, fij_v, fik_v,
                  gij_v, gik_v, diff_v, sem):
    cid = lax.axis_index("c")
    sid = lax.axis_index("s")
    wid = sid * NC + cid
    base = wid * TPT

    pltpu.sync_copy(n_hbm, n_v)
    pltpu.sync_copy(t_hbm.at[pl.ds(base * 3, TPT * 3)], tv_v)

    lanes3 = lax.iota(jnp.int32, L) * 3

    def build_body(g, carry):
        sl = pl.ds(g * L, L)
        b = lanes3 + g * (3 * L)
        iv = plsc.load_gather(tv_v, [b])
        jv = plsc.load_gather(tv_v, [b + 1])
        kv = plsc.load_gather(tv_v, [b + 2])
        iv_v[sl] = iv
        jv_v[sl] = jv
        kv_v[sl] = kv
        rowbase = lax.shift_left(iv, 12)
        fij_v[sl] = rowbase + jv
        fik_v[sl] = rowbase + kv
        return carry

    lax.fori_loop(0, GRP, build_body, 0)

    copies = []
    for c in range(TPT // IDX_CH):
        sl = pl.ds(c * IDX_CH, IDX_CH)
        copies.append(pltpu.async_copy(
            g_hbm.at[fij_v.at[sl]], gij_v.at[sl], sem))
        copies.append(pltpu.async_copy(
            g_hbm.at[fik_v.at[sl]], gik_v.at[sl], sem))
    for cp in copies:
        cp.wait()

    def norm_gather(idx):
        return plsc.load_gather(
            n_v, [lax.shift_right_logical(idx, 7), idx & 127])

    def diff_body(g, carry):
        sl = pl.ds(g * L, L)
        ni = norm_gather(iv_v[sl])
        nj = norm_gather(jv_v[sl])
        nk = norm_gather(kv_v[sl])
        gij = gij_v[sl]
        gik = gik_v[sl]
        dij = jnp.maximum(ni + nj - (gij + gij), 0.0)
        dik = jnp.maximum(ni + nk - (gik + gik), 0.0)
        diff_v[g // 8, pl.ds((g % 8) * L, L)] = dij - dik
        return carry

    lax.fori_loop(0, GRP, diff_body, 0)
    pltpu.sync_copy(diff_v,
                    out_hbm.at[pl.ds(wid * (TPT // 128), TPT // 128)])


_sc_diffs = functools.partial(
    pl.kernel,
    out_type=jax.ShapeDtypeStruct((128, 128), jnp.float32),
    mesh=plsc.VectorSubcoreMesh(
        core_axis_name="c", subcore_axis_name="s",
        num_cores=NC, num_subcores=NS),
    compiler_params=pltpu.CompilerParams(needs_layout_passes=False),
    scratch_types=[
        pltpu.VMEM((N_ROWS // 128, 128), jnp.float32),
        pltpu.VMEM((TPT * 3,), jnp.int32),
        pltpu.VMEM((TPT,), jnp.int32),
        pltpu.VMEM((TPT,), jnp.int32),
        pltpu.VMEM((TPT,), jnp.int32),
        pltpu.VMEM((TPT,), jnp.int32),
        pltpu.VMEM((TPT,), jnp.int32),
        pltpu.VMEM((TPT,), jnp.float32),
        pltpu.VMEM((TPT,), jnp.float32),
        pltpu.VMEM((TPT // 128, 128), jnp.float32),
        pltpu.SemaphoreType.DMA,
    ],
)(_sc_diff_body)



def _tc_loss_body(d_ref, o_ref):
    per = jnp.log(1.0 + jnp.exp(d_ref[...]))
    o_ref[...] = jnp.reshape(jnp.sum(per) / float(N_TRIP), (1, 1))


def kernel(x, triplets):
    t_flat = triplets.astype(jnp.int32).reshape(N_TRIP * 3)
    g, n = _matmul_norms(x)
    diffs = _sc_diffs(g.reshape(N_ROWS * N_ROWS), n, t_flat)
    loss = pl.pallas_call(
        _tc_loss_body,
        out_shape=jax.ShapeDtypeStruct((1, 1), jnp.float32),
    )(diffs)
    return loss.reshape(1)

# --- scband reference (transcript-rebuilt; emitter-appended) ---
"""Pipeline reference for scband-triplet-loss-32925219291441 (READ-ONLY COPY).

The authoritative reference and input builder live on the scoring server;
editing this copy changes nothing except your own understanding.
"""

import jax, jax.numpy as jnp
import numpy as np


def setup_inputs(seed: int = 0) -> dict:
    key = jax.random.key(seed)
    k1, k2 = jax.random.split(key)
    x = jax.random.normal(k1, (4096, 512), dtype=jnp.float32)
    triplets = jax.random.randint(k2, (16384, 3), 0, 4096, dtype=jnp.int64)
    return {"x": x, "triplets": triplets}


def _pairwise_distances(x):
    x_norm = jnp.sum(x ** 2, axis=1)
    dist = x_norm[:, None] + x_norm[None, :] - 2.0 * (x @ x.T)
    return jnp.clip(dist, 0.0, np.inf)


def reference(x, triplets):
    # pre_layer is None, so x passes through directly.
    dist = _pairwise_distances(x)
    i = triplets[:, 0]
    j = triplets[:, 1]
    k = triplets[:, 2]
    dij = dist[i, j]
    dik = dist[i, k]
    per_triplet = jnp.log(1.0 + jnp.exp(dij - dik))
    triplet_count = triplets.shape[0]
    loss = jnp.sum(per_triplet) / triplet_count
    return jnp.asarray([loss], dtype=jnp.float32)

if __name__ == "__main__":
    import jax
    _d = setup_inputs()
    print(jax.jit(kernel)(*tuple(_d.values())))

</pallas_src>

<mosaic_0001>
#map = affine_map<(d0, d1) -> (0)>
#map1 = affine_map<(d0, d1) -> (0, 0)>
module attributes {stable_mosaic.version = 14 : i64} {
  func.func @_sc_diff_body(%arg0: i32, %arg1: i32, %arg2: memref<16777216xf32, #tpu.memory_space<hbm>>, %arg3: memref<32x128xf32, #tpu.memory_space<hbm>>, %arg4: memref<49152xi32, #tpu.memory_space<hbm>>, %arg5: memref<128x128xf32, #tpu.memory_space<hbm>>, %arg6: memref<32x128xf32, #tpu.memory_space<vmem>>, %arg7: memref<1536xi32, #tpu.memory_space<vmem>>, %arg8: memref<512xi32, #tpu.memory_space<vmem>>, %arg9: memref<512xi32, #tpu.memory_space<vmem>>, %arg10: memref<512xi32, #tpu.memory_space<vmem>>, %arg11: memref<512xi32, #tpu.memory_space<vmem>>, %arg12: memref<512xi32, #tpu.memory_space<vmem>>, %arg13: memref<512xf32, #tpu.memory_space<vmem>>, %arg14: memref<512xf32, #tpu.memory_space<vmem>>, %arg15: memref<4x128xf32, #tpu.memory_space<vmem>>, %arg16: memref<!tpu.dma_semaphore, #tpu.memory_space<semaphore_mem>>) attributes {dimension_semantics = [#tpu.dimension_semantics<core_parallel>, #tpu.dimension_semantics<subcore_parallel>], iteration_bounds = array<i64: 2, 16>, scalar_prefetch = 0 : i64, scratch_operands = 11 : i64, tpu.core_type = #tpu.core_type<sc_vector_subcore>, window_params = [{transform_indices = #map}, {transform_indices = #map1}, {transform_indices = #map}, {transform_indices = #map1}]} {
    %mul3A = arith.constant 2 : i32
    %mul3A_0 = arith.muli %arg1, %mul3A : i32
    %add3A = arith.addi %mul3A_0, %arg0 : i32
    %mul3A_1 = arith.constant 512 : i32
    %mul3A_2 = arith.muli %add3A, %mul3A_1 : i32
    "tpu.region"() ({
      %run_scoped3A = tpu.sem_alloc : memref<!tpu.dma_semaphore, #tpu.memory_space<semaphore_mem>>
      tpu.enqueue_dma source(%arg3 : memref<32x128xf32, #tpu.memory_space<hbm>>) target(%arg6 : memref<32x128xf32, #tpu.memory_space<vmem>>) target_semaphore(%run_scoped3A : memref<!tpu.dma_semaphore, #tpu.memory_space<semaphore_mem>>)
      tpu.wait_dma2 semaphore(%run_scoped3A : memref<!tpu.dma_semaphore, #tpu.memory_space<semaphore_mem>>) src(%arg3 : memref<32x128xf32, #tpu.memory_space<hbm>>) dst(%arg6 : memref<32x128xf32, #tpu.memory_space<vmem>>)
      tpu.yield
    }) : () -> ()
    %mul3A_3 = arith.constant 3 : i32
    %mul3A_4 = arith.muli %mul3A_2, %mul3A_3 : i32
    "tpu.region"() ({
      %run_scoped3A = tpu.sem_alloc : memref<!tpu.dma_semaphore, #tpu.memory_space<semaphore_mem>>
      %dma_start3A_115 = tpu.memref_slice %arg4[%mul3A_4] : memref<49152xi32, #tpu.memory_space<hbm>> -> memref<1536xi32, #tpu.memory_space<hbm>>
      %dma_start3A_116 = tpu.memref_slice %arg4[%mul3A_4] : memref<49152xi32, #tpu.memory_space<hbm>> -> memref<1536xi32, #tpu.memory_space<hbm>>
      tpu.enqueue_dma source(%dma_start3A_116 : memref<1536xi32, #tpu.memory_space<hbm>>) target(%arg7 : memref<1536xi32, #tpu.memory_space<vmem>>) target_semaphore(%run_scoped3A : memref<!tpu.dma_semaphore, #tpu.memory_space<semaphore_mem>>)
      %dma_wait3A_117 = tpu.memref_slice %arg4[%mul3A_4] : memref<49152xi32, #tpu.memory_space<hbm>> -> memref<1536xi32, #tpu.memory_space<hbm>>
      %dma_wait3A_118 = tpu.memref_slice %arg4[%mul3A_4] : memref<49152xi32, #tpu.memory_space<hbm>> -> memref<1536xi32, #tpu.memory_space<hbm>>
      tpu.wait_dma2 semaphore(%run_scoped3A : memref<!tpu.dma_semaphore, #tpu.memory_space<semaphore_mem>>) src(%dma_wait3A_118 : memref<1536xi32, #tpu.memory_space<hbm>>) dst(%arg7 : memref<1536xi32, #tpu.memory_space<vmem>>)
      tpu.yield
    }) : () -> ()
    %iota3A = tpu.iota {dimensions = array<i32: 0>} : vector<16xi32>
    %mul3A_5 = arith.constant 3 : i32
    %mul3A_6 = vector.broadcast %mul3A_5 : i32 to vector<16xi32>
    %mul3A_7 = arith.muli %iota3A, %mul3A_6 : vector<16xi32>
    %scan3A = arith.constant 0 : i32
    %scan3A_8 = arith.constant 0 : i32
    %scan3A_9 = arith.constant 32 : i32
    %scan3A_10 = arith.addi %scan3A_8, %scan3A_9 : i32
    %scan3A_11 = arith.constant 1 : i32
    scf.for %scan3A_115 = %scan3A_8 to %scan3A_10 step %scan3A_11  : i32 {
      %mul3A_116 = arith.constant 16 : i32
      %mul3A_117 = arith.muli %scan3A_115, %mul3A_116 : i32
      %mul3A_118 = arith.constant 48 : i32
      %mul3A_119 = arith.muli %scan3A_115, %mul3A_118 : i32
      %add3A_120 = vector.broadcast %mul3A_119 : i32 to vector<16xi32>
      %add3A_121 = arith.addi %mul3A_7, %add3A_120 : vector<16xi32>
      %gather3A = tpu.vector_load_idx %arg7[%add3A_121] : memref<1536xi32, #tpu.memory_space<vmem>>[vector<16xi32>], vector<16xi32>,
      %add3A_122 = arith.constant 1 : i32
      %add3A_123 = vector.broadcast %add3A_122 : i32 to vector<16xi32>
      %add3A_124 = arith.addi %add3A_121, %add3A_123 : vector<16xi32>
      %gather3A_125 = tpu.vector_load_idx %arg7[%add3A_124] : memref<1536xi32, #tpu.memory_space<vmem>>[vector<16xi32>], vector<16xi32>,
      %add3A_126 = arith.constant 2 : i32
      %add3A_127 = vector.broadcast %add3A_126 : i32 to vector<16xi32>
      %add3A_128 = arith.addi %add3A_121, %add3A_127 : vector<16xi32>
      %gather3A_129 = tpu.vector_load_idx %arg7[%add3A_128] : memref<1536xi32, #tpu.memory_space<vmem>>[vector<16xi32>], vector<16xi32>,
      %swap3A = arith.index_cast %mul3A_117 : i32 to index
      %swap3A_130 = tpu.vector_load %arg8[%swap3A] {strides = array<i32>} : memref<512xi32, #tpu.memory_space<vmem>>, vector<16xi32>,
      tpu.vector_store %arg8[%swap3A], %gather3A {strides = array<i32>} : memref<512xi32, #tpu.memory_space<vmem>>, vector<16xi32>,
      %swap3A_131 = arith.index_cast %mul3A_117 : i32 to index
      %swap3A_132 = tpu.vector_load %arg9[%swap3A_131] {strides = array<i32>} : memref<512xi32, #tpu.memory_space<vmem>>, vector<16xi32>,
      tpu.vector_store %arg9[%swap3A_131], %gather3A_125 {strides = array<i32>} : memref<512xi32, #tpu.memory_space<vmem>>, vector<16xi32>,
      %swap3A_133 = arith.index_cast %mul3A_117 : i32 to index
      %swap3A_134 = tpu.vector_load %arg10[%swap3A_133] {strides = array<i32>} : memref<512xi32, #tpu.memory_space<vmem>>, vector<16xi32>,
      tpu.vector_store %arg10[%swap3A_133], %gather3A_129 {strides = array<i32>} : memref<512xi32, #tpu.memory_space<vmem>>, vector<16xi32>,
      %shift_left3A = arith.constant 12 : i32
      %shift_left3A_135 = vector.broadcast %shift_left3A : i32 to vector<16xi32>
      %shift_left3A_136 = arith.shli %gather3A, %shift_left3A_135 : vector<16xi32>
      %add3A_137 = arith.addi %shift_left3A_136, %gather3A_125 : vector<16xi32>
      %swap3A_138 = arith.index_cast %mul3A_117 : i32 to index
      %swap3A_139 = tpu.vector_load %arg11[%swap3A_138] {strides = array<i32>} : memref<512xi32, #tpu.memory_space<vmem>>, vector<16xi32>,
      tpu.vector_store %arg11[%swap3A_138], %add3A_137 {strides = array<i32>} : memref<512xi32, #tpu.memory_space<vmem>>, vector<16xi32>,
      %add3A_140 = arith.addi %shift_left3A_136, %gather3A_129 : vector<16xi32>
      %swap3A_141 = arith.index_cast %mul3A_117 : i32 to index
      %swap3A_142 = tpu.vector_load %arg12[%swap3A_141] {strides = array<i32>} : memref<512xi32, #tpu.memory_space<vmem>>, vector<16xi32>,
      tpu.vector_store %arg12[%swap3A_141], %add3A_140 {strides = array<i32>} : memref<512xi32, #tpu.memory_space<vmem>>, vector<16xi32>,
    }
    %scan3A_12 = arith.constant 32 : i32
    %dma_start3A = arith.constant 0 : i32
    %dma_start3A_13 = tpu.memref_slice %arg13[%dma_start3A] : memref<512xf32, #tpu.memory_space<vmem>> -> memref<128xf32, #tpu.memory_space<vmem>>
    %dma_start3A_14 = arith.constant 0 : i32
    %dma_start3A_15 = tpu.memref_slice %arg11[%dma_start3A_14] : memref<512xi32, #tpu.memory_space<vmem>> -> memref<128xi32, #tpu.memory_space<vmem>>
    %dma_start3A_16 = arith.constant 0 : i32
    %dma_start3A_17 = tpu.memref_slice %arg2[%dma_start3A_16] : memref<16777216xf32, #tpu.memory_space<hbm>> -> memref<16777216xf32, #tpu.memory_space<hbm>>
    tpu.enqueue_indirect_dma source(%dma_start3A_17 : memref<16777216xf32, #tpu.memory_space<hbm>>) target(%dma_start3A_13 : memref<128xf32, #tpu.memory_space<vmem>>) offsets(%dma_start3A_15 : memref<128xi32, #tpu.memory_space<vmem>>) semaphore(%arg16 : memref<!tpu.dma_semaphore, #tpu.memory_space<semaphore_mem>>)
    %dma_start3A_18 = arith.constant 0 : i32
    %dma_start3A_19 = tpu.memref_slice %arg14[%dma_start3A_18] : memref<512xf32, #tpu.memory_space<vmem>> -> memref<128xf32, #tpu.memory_space<vmem>>
    %dma_start3A_20 = arith.constant 0 : i32
    %dma_start3A_21 = tpu.memref_slice %arg12[%dma_start3A_20] : memref<512xi32, #tpu.memory_space<vmem>> -> memref<128xi32, #tpu.memory_space<vmem>>
    %dma_start3A_22 = arith.constant 0 : i32
    %dma_start3A_23 = tpu.memref_slice %arg2[%dma_start3A_22] : memref<16777216xf32, #tpu.memory_space<hbm>> -> memref<16777216xf32, #tpu.memory_space<hbm>>
    tpu.enqueue_indirect_dma source(%dma_start3A_23 : memref<16777216xf32, #tpu.memory_space<hbm>>) target(%dma_start3A_19 : memref<128xf32, #tpu.memory_space<vmem>>) offsets(%dma_start3A_21 : memref<128xi32, #tpu.memory_space<vmem>>) semaphore(%arg16 : memref<!tpu.dma_semaphore, #tpu.memory_space<semaphore_mem>>)
    %dma_start3A_24 = arith.constant 128 : i32
    %dma_start3A_25 = tpu.memref_slice %arg13[%dma_start3A_24] : memref<512xf32, #tpu.memory_space<vmem>> -> memref<128xf32, #tpu.memory_space<vmem>>
    %dma_start3A_26 = arith.constant 128 : i32
    %dma_start3A_27 = tpu.memref_slice %arg11[%dma_start3A_26] : memref<512xi32, #tpu.memory_space<vmem>> -> memref<128xi32, #tpu.memory_space<vmem>>
    %dma_start3A_28 = arith.constant 0 : i32
    %dma_start3A_29 = tpu.memref_slice %arg2[%dma_start3A_28] : memref<16777216xf32, #tpu.memory_space<hbm>> -> memref<16777216xf32, #tpu.memory_space<hbm>>
    tpu.enqueue_indirect_dma source(%dma_start3A_29 : memref<16777216xf32, #tpu.memory_space<hbm>>) target(%dma_start3A_25 : memref<128xf32, #tpu.memory_space<vmem>>) offsets(%dma_start3A_27 : memref<128xi32, #tpu.memory_space<vmem>>) semaphore(%arg16 : memref<!tpu.dma_semaphore, #tpu.memory_space<semaphore_mem>>)
    %dma_start3A_30 = arith.constant 128 : i32
    %dma_start3A_31 = tpu.memref_slice %arg14[%dma_start3A_30] : memref<512xf32, #tpu.memory_space<vmem>> -> memref<128xf32, #tpu.memory_space<vmem>>
    %dma_start3A_32 = arith.constant 128 : i32
    %dma_start3A_33 = tpu.memref_slice %arg12[%dma_start3A_32] : memref<512xi32, #tpu.memory_space<vmem>> -> memref<128xi32, #tpu.memory_space<vmem>>
    %dma_start3A_34 = arith.constant 0 : i32
    %dma_start3A_35 = tpu.memref_slice %arg2[%dma_start3A_34] : memref<16777216xf32, #tpu.memory_space<hbm>> -> memref<16777216xf32, #tpu.memory_space<hbm>>
    tpu.enqueue_indirect_dma source(%dma_start3A_35 : memref<16777216xf32, #tpu.memory_space<hbm>>) target(%dma_start3A_31 : memref<128xf32, #tpu.memory_space<vmem>>) offsets(%dma_start3A_33 : memref<128xi32, #tpu.memory_space<vmem>>) semaphore(%arg16 : memref<!tpu.dma_semaphore, #tpu.memory_space<semaphore_mem>>)
    %dma_start3A_36 = arith.constant 256 : i32
    %dma_start3A_37 = tpu.memref_slice %arg13[%dma_start3A_36] : memref<512xf32, #tpu.memory_space<vmem>> -> memref<128xf32, #tpu.memory_space<vmem>>
    %dma_start3A_38 = arith.constant 256 : i32
    %dma_start3A_39 = tpu.memref_slice %arg11[%dma_start3A_38] : memref<512xi32, #tpu.memory_space<vmem>> -> memref<128xi32, #tpu.memory_space<vmem>>
    %dma_start3A_40 = arith.constant 0 : i32
    %dma_start3A_41 = tpu.memref_slice %arg2[%dma_start3A_40] : memref<16777216xf32, #tpu.memory_space<hbm>> -> memref<16777216xf32, #tpu.memory_space<hbm>>
    tpu.enqueue_indirect_dma source(%dma_start3A_41 : memref<16777216xf32, #tpu.memory_space<hbm>>) target(%dma_start3A_37 : memref<128xf32, #tpu.memory_space<vmem>>) offsets(%dma_start3A_39 : memref<128xi32, #tpu.memory_space<vmem>>) semaphore(%arg16 : memref<!tpu.dma_semaphore, #tpu.memory_space<semaphore_mem>>)
    %dma_start3A_42 = arith.constant 256 : i32
    %dma_start3A_43 = tpu.memref_slice %arg14[%dma_start3A_42] : memref<512xf32, #tpu.memory_space<vmem>> -> memref<128xf32, #tpu.memory_space<vmem>>
    %dma_start3A_44 = arith.constant 256 : i32
    %dma_start3A_45 = tpu.memref_slice %arg12[%dma_start3A_44] : memref<512xi32, #tpu.memory_space<vmem>> -> memref<128xi32, #tpu.memory_space<vmem>>
    %dma_start3A_46 = arith.constant 0 : i32
    %dma_start3A_47 = tpu.memref_slice %arg2[%dma_start3A_46] : memref<16777216xf32, #tpu.memory_space<hbm>> -> memref<16777216xf32, #tpu.memory_space<hbm>>
    tpu.enqueue_indirect_dma source(%dma_start3A_47 : memref<16777216xf32, #tpu.memory_space<hbm>>) target(%dma_start3A_43 : memref<128xf32, #tpu.memory_space<vmem>>) offsets(%dma_start3A_45 : memref<128xi32, #tpu.memory_space<vmem>>) semaphore(%arg16 : memref<!tpu.dma_semaphore, #tpu.memory_space<semaphore_mem>>)
    %dma_start3A_48 = arith.constant 384 : i32
    %dma_start3A_49 = tpu.memref_slice %arg13[%dma_start3A_48] : memref<512xf32, #tpu.memory_space<vmem>> -> memref<128xf32, #tpu.memory_space<vmem>>
    %dma_start3A_50 = arith.constant 384 : i32
    %dma_start3A_51 = tpu.memref_slice %arg11[%dma_start3A_50] : memref<512xi32, #tpu.memory_space<vmem>> -> memref<128xi32, #tpu.memory_space<vmem>>
    %dma_start3A_52 = arith.constant 0 : i32
    %dma_start3A_53 = tpu.memref_slice %arg2[%dma_start3A_52] : memref<16777216xf32, #tpu.memory_space<hbm>> -> memref<16777216xf32, #tpu.memory_space<hbm>>
    tpu.enqueue_indirect_dma source(%dma_start3A_53 : memref<16777216xf32, #tpu.memory_space<hbm>>) target(%dma_start3A_49 : memref<128xf32, #tpu.memory_space<vmem>>) offsets(%dma_start3A_51 : memref<128xi32, #tpu.memory_space<vmem>>) semaphore(%arg16 : memref<!tpu.dma_semaphore, #tpu.memory_space<semaphore_mem>>)
    %dma_start3A_54 = arith.constant 384 : i32
    %dma_start3A_55 = tpu.memref_slice %arg14[%dma_start3A_54] : memref<512xf32, #tpu.memory_space<vmem>> -> memref<128xf32, #tpu.memory_space<vmem>>
    %dma_start3A_56 = arith.constant 384 : i32
    %dma_start3A_57 = tpu.memref_slice %arg12[%dma_start3A_56] : memref<512xi32, #tpu.memory_space<vmem>> -> memref<128xi32, #tpu.memory_space<vmem>>
    %dma_start3A_58 = arith.constant 0 : i32
    %dma_start3A_59 = tpu.memref_slice %arg2[%dma_start3A_58] : memref<16777216xf32, #tpu.memory_space<hbm>> -> memref<16777216xf32, #tpu.memory_space<hbm>>
    tpu.enqueue_indirect_dma source(%dma_start3A_59 : memref<16777216xf32, #tpu.memory_space<hbm>>) target(%dma_start3A_55 : memref<128xf32, #tpu.memory_space<vmem>>) offsets(%dma_start3A_57 : memref<128xi32, #tpu.memory_space<vmem>>) semaphore(%arg16 : memref<!tpu.dma_semaphore, #tpu.memory_space<semaphore_mem>>)
    %dma_wait3A = arith.constant 0 : i32
    %dma_wait3A_60 = tpu.memref_slice %arg13[%dma_wait3A] : memref<512xf32, #tpu.memory_space<vmem>> -> memref<128xf32, #tpu.memory_space<vmem>>
    %dma_wait3A_61 = arith.constant 0 : i32
    %dma_wait3A_62 = tpu.memref_slice %arg11[%dma_wait3A_61] : memref<512xi32, #tpu.memory_space<vmem>> -> memref<128xi32, #tpu.memory_space<vmem>>
    %dma_wait3A_63 = arith.constant 0 : i32
    %dma_wait3A_64 = tpu.memref_slice %arg2[%dma_wait3A_63] : memref<16777216xf32, #tpu.memory_space<hbm>> -> memref<16777216xf32, #tpu.memory_space<hbm>>
    tpu.wait_indirect_dma semaphore(%arg16 : memref<!tpu.dma_semaphore, #tpu.memory_space<semaphore_mem>>) src(%dma_wait3A_64 : memref<16777216xf32, #tpu.memory_space<hbm>>) dst(%dma_wait3A_60 : memref<128xf32, #tpu.memory_space<vmem>>)
    %dma_wait3A_65 = arith.constant 0 : i32
    %dma_wait3A_66 = tpu.memref_slice %arg14[%dma_wait3A_65] : memref<512xf32, #tpu.memory_space<vmem>> -> memref<128xf32, #tpu.memory_space<vmem>>
    %dma_wait3A_67 = arith.constant 0 : i32
    %dma_wait3A_68 = tpu.memref_slice %arg12[%dma_wait3A_67] : memref<512xi32, #tpu.memory_space<vmem>> -> memref<128xi32, #tpu.memory_space<vmem>>
    %dma_wait3A_69 = arith.constant 0 : i32
    %dma_wait3A_70 = tpu.memref_slice %arg2[%dma_wait3A_69] : memref<16777216xf32, #tpu.memory_space<hbm>> -> memref<16777216xf32, #tpu.memory_space<hbm>>
    tpu.wait_indirect_dma semaphore(%arg16 : memref<!tpu.dma_semaphore, #tpu.memory_space<semaphore_mem>>) src(%dma_wait3A_70 : memref<16777216xf32, #tpu.memory_space<hbm>>) dst(%dma_wait3A_66 : memref<128xf32, #tpu.memory_space<vmem>>)
    %dma_wait3A_71 = arith.constant 128 : i32
    %dma_wait3A_72 = tpu.memref_slice %arg13[%dma_wait3A_71] : memref<512xf32, #tpu.memory_space<vmem>> -> memref<128xf32, #tpu.memory_space<vmem>>
    %dma_wait3A_73 = arith.constant 128 : i32
    %dma_wait3A_74 = tpu.memref_slice %arg11[%dma_wait3A_73] : memref<512xi32, #tpu.memory_space<vmem>> -> memref<128xi32, #tpu.memory_space<vmem>>
    %dma_wait3A_75 = arith.constant 0 : i32
    %dma_wait3A_76 = tpu.memref_slice %arg2[%dma_wait3A_75] : memref<16777216xf32, #tpu.memory_space<hbm>> -> memref<16777216xf32, #tpu.memory_space<hbm>>
    tpu.wait_indirect_dma semaphore(%arg16 : memref<!tpu.dma_semaphore, #tpu.memory_space<semaphore_mem>>) src(%dma_wait3A_76 : memref<16777216xf32, #tpu.memory_space<hbm>>) dst(%dma_wait3A_72 : memref<128xf32, #tpu.memory_space<vmem>>)
    %dma_wait3A_77 = arith.constant 128 : i32
    %dma_wait3A_78 = tpu.memref_slice %arg14[%dma_wait3A_77] : memref<512xf32, #tpu.memory_space<vmem>> -> memref<128xf32, #tpu.memory_space<vmem>>
    %dma_wait3A_79 = arith.constant 128 : i32
    %dma_wait3A_80 = tpu.memref_slice %arg12[%dma_wait3A_79] : memref<512xi32, #tpu.memory_space<vmem>> -> memref<128xi32, #tpu.memory_space<vmem>>
    %dma_wait3A_81 = arith.constant 0 : i32
    %dma_wait3A_82 = tpu.memref_slice %arg2[%dma_wait3A_81] : memref<16777216xf32, #tpu.memory_space<hbm>> -> memref<16777216xf32, #tpu.memory_space<hbm>>
    tpu.wait_indirect_dma semaphore(%arg16 : memref<!tpu.dma_semaphore, #tpu.memory_space<semaphore_mem>>) src(%dma_wait3A_82 : memref<16777216xf32, #tpu.memory_space<hbm>>) dst(%dma_wait3A_78 : memref<128xf32, #tpu.memory_space<vmem>>)
    %dma_wait3A_83 = arith.constant 256 : i32
    %dma_wait3A_84 = tpu.memref_slice %arg13[%dma_wait3A_83] : memref<512xf32, #tpu.memory_space<vmem>> -> memref<128xf32, #tpu.memory_space<vmem>>
    %dma_wait3A_85 = arith.constant 256 : i32
    %dma_wait3A_86 = tpu.memref_slice %arg11[%dma_wait3A_85] : memref<512xi32, #tpu.memory_space<vmem>> -> memref<128xi32, #tpu.memory_space<vmem>>
    %dma_wait3A_87 = arith.constant 0 : i32
    %dma_wait3A_88 = tpu.memref_slice %arg2[%dma_wait3A_87] : memref<16777216xf32, #tpu.memory_space<hbm>> -> memref<16777216xf32, #tpu.memory_space<hbm>>
    tpu.wait_indirect_dma semaphore(%arg16 : memref<!tpu.dma_semaphore, #tpu.memory_space<semaphore_mem>>) src(%dma_wait3A_88 : memref<16777216xf32, #tpu.memory_space<hbm>>) dst(%dma_wait3A_84 : memref<128xf32, #tpu.memory_space<vmem>>)
    %dma_wait3A_89 = arith.constant 256 : i32
    %dma_wait3A_90 = tpu.memref_slice %arg14[%dma_wait3A_89] : memref<512xf32, #tpu.memory_space<vmem>> -> memref<128xf32, #tpu.memory_space<vmem>>
    %dma_wait3A_91 = arith.constant 256 : i32
    %dma_wait3A_92 = tpu.memref_slice %arg12[%dma_wait3A_91] : memref<512xi32, #tpu.memory_space<vmem>> -> memref<128xi32, #tpu.memory_space<vmem>>
    %dma_wait3A_93 = arith.constant 0 : i32
    %dma_wait3A_94 = tpu.memref_slice %arg2[%dma_wait3A_93] : memref<16777216xf32, #tpu.memory_space<hbm>> -> memref<16777216xf32, #tpu.memory_space<hbm>>
    tpu.wait_indirect_dma semaphore(%arg16 : memref<!tpu.dma_semaphore, #tpu.memory_space<semaphore_mem>>) src(%dma_wait3A_94 : memref<16777216xf32, #tpu.memory_space<hbm>>) dst(%dma_wait3A_90 : memref<128xf32, #tpu.memory_space<vmem>>)
    %dma_wait3A_95 = arith.constant 384 : i32
    %dma_wait3A_96 = tpu.memref_slice %arg13[%dma_wait3A_95] : memref<512xf32, #tpu.memory_space<vmem>> -> memref<128xf32, #tpu.memory_space<vmem>>
    %dma_wait3A_97 = arith.constant 384 : i32
    %dma_wait3A_98 = tpu.memref_slice %arg11[%dma_wait3A_97] : memref<512xi32, #tpu.memory_space<vmem>> -> memref<128xi32, #tpu.memory_space<vmem>>
    %dma_wait3A_99 = arith.constant 0 : i32
    %dma_wait3A_100 = tpu.memref_slice %arg2[%dma_wait3A_99] : memref<16777216xf32, #tpu.memory_space<hbm>> -> memref<16777216xf32, #tpu.memory_space<hbm>>
    tpu.wait_indirect_dma semaphore(%arg16 : memref<!tpu.dma_semaphore, #tpu.memory_space<semaphore_mem>>) src(%dma_wait3A_100 : memref<16777216xf32, #tpu.memory_space<hbm>>) dst(%dma_wait3A_96 : memref<128xf32, #tpu.memory_space<vmem>>)
    %dma_wait3A_101 = arith.constant 384 : i32
    %dma_wait3A_102 = tpu.memref_slice %arg14[%dma_wait3A_101] : memref<512xf32, #tpu.memory_space<vmem>> -> memref<128xf32, #tpu.memory_space<vmem>>
    %dma_wait3A_103 = arith.constant 384 : i32
    %dma_wait3A_104 = tpu.memref_slice %arg12[%dma_wait3A_103] : memref<512xi32, #tpu.memory_space<vmem>> -> memref<128xi32, #tpu.memory_space<vmem>>
    %dma_wait3A_105 = arith.constant 0 : i32
    %dma_wait3A_106 = tpu.memref_slice %arg2[%dma_wait3A_105] : memref<16777216xf32, #tpu.memory_space<hbm>> -> memref<16777216xf32, #tpu.memory_space<hbm>>
    tpu.wait_indirect_dma semaphore(%arg16 : memref<!tpu.dma_semaphore, #tpu.memory_space<semaphore_mem>>) src(%dma_wait3A_106 : memref<16777216xf32, #tpu.memory_space<hbm>>) dst(%dma_wait3A_102 : memref<128xf32, #tpu.memory_space<vmem>>)
    %scan3A_107 = arith.constant 0 : i32
    %scan3A_108 = arith.constant 0 : i32
    %scan3A_109 = arith.constant 32 : i32
    %scan3A_110 = arith.addi %scan3A_108, %scan3A_109 : i32
    %scan3A_111 = arith.constant 1 : i32
    scf.for %scan3A_115 = %scan3A_108 to %scan3A_110 step %scan3A_111  : i32 {
      %mul3A_116 = arith.constant 16 : i32
      %mul3A_117 = arith.muli %scan3A_115, %mul3A_116 : i32
      %get3A = arith.index_cast %mul3A_117 : i32 to index
      %get3A_118 = tpu.vector_load %arg8[%get3A] {strides = array<i32>} : memref<512xi32, #tpu.memory_space<vmem>>, vector<16xi32>,
      %shift_right_logical3A = arith.constant 7 : i32
      %shift_right_logical3A_119 = vector.broadcast %shift_right_logical3A : i32 to vector<16xi32>
      %shift_right_logical3A_120 = arith.shrui %get3A_118, %shift_right_logical3A_119 : vector<16xi32>
      %and3A = arith.constant 127 : i32
      %and3A_121 = vector.broadcast %and3A : i32 to vector<16xi32>
      %and3A_122 = arith.andi %get3A_118, %and3A_121 : vector<16xi32>
      %gather3A = tpu.vector_load_idx %arg6[%shift_right_logical3A_120, %and3A_122] : memref<32x128xf32, #tpu.memory_space<vmem>>[vector<16xi32>, vector<16xi32>], vector<16xf32>,
      %get3A_123 = arith.index_cast %mul3A_117 : i32 to index
      %get3A_124 = tpu.vector_load %arg9[%get3A_123] {strides = array<i32>} : memref<512xi32, #tpu.memory_space<vmem>>, vector<16xi32>,
      %shift_right_logical3A_125 = arith.constant 7 : i32
      %shift_right_logical3A_126 = vector.broadcast %shift_right_logical3A_125 : i32 to vector<16xi32>
      %shift_right_logical3A_127 = arith.shrui %get3A_124, %shift_right_logical3A_126 : vector<16xi32>
      %and3A_128 = arith.constant 127 : i32
      %and3A_129 = vector.broadcast %and3A_128 : i32 to vector<16xi32>
      %and3A_130 = arith.andi %get3A_124, %and3A_129 : vector<16xi32>
      %gather3A_131 = tpu.vector_load_idx %arg6[%shift_right_logical3A_127, %and3A_130] : memref<32x128xf32, #tpu.memory_space<vmem>>[vector<16xi32>, vector<16xi32>], vector<16xf32>,
      %get3A_132 = arith.index_cast %mul3A_117 : i32 to index
      %get3A_133 = tpu.vector_load %arg10[%get3A_132] {strides = array<i32>} : memref<512xi32, #tpu.memory_space<vmem>>, vector<16xi32>,
      %shift_right_logical3A_134 = arith.constant 7 : i32
      %shift_right_logical3A_135 = vector.broadcast %shift_right_logical3A_134 : i32 to vector<16xi32>
      %shift_right_logical3A_136 = arith.shrui %get3A_133, %shift_right_logical3A_135 : vector<16xi32>
      %and3A_137 = arith.constant 127 : i32
      %and3A_138 = vector.broadcast %and3A_137 : i32 to vector<16xi32>
      %and3A_139 = arith.andi %get3A_133, %and3A_138 : vector<16xi32>
      %gather3A_140 = tpu.vector_load_idx %arg6[%shift_right_logical3A_136, %and3A_139] : memref<32x128xf32, #tpu.memory_space<vmem>>[vector<16xi32>, vector<16xi32>], vector<16xf32>,
      %get3A_141 = arith.index_cast %mul3A_117 : i32 to index
      %get3A_142 = tpu.vector_load %arg13[%get3A_141] {strides = array<i32>} : memref<512xf32, #tpu.memory_space<vmem>>, vector<16xf32>,
      %get3A_143 = arith.index_cast %mul3A_117 : i32 to index
      %get3A_144 = tpu.vector_load %arg14[%get3A_143] {strides = array<i32>} : memref<512xf32, #tpu.memory_space<vmem>>, vector<16xf32>,
      %add3A_145 = arith.addf %gather3A, %gather3A_131 : vector<16xf32>
      %add3A_146 = arith.addf %get3A_142, %get3A_142 : vector<16xf32>
      %sub3A = arith.subf %add3A_145, %add3A_146 : vector<16xf32>
      %max3A = arith.constant 0.000000e+00 : f32
      %max3A_147 = vector.broadcast %max3A : f32 to vector<16xf32>
      %max3A_148 = arith.maximumf %sub3A, %max3A_147 : vector<16xf32>
      %add3A_149 = arith.addf %gather3A, %gather3A_140 : vector<16xf32>
      %add3A_150 = arith.addf %get3A_144, %get3A_144 : vector<16xf32>
      %sub3A_151 = arith.subf %add3A_149, %add3A_150 : vector<16xf32>
      %max3A_152 = arith.constant 0.000000e+00 : f32
      %max3A_153 = vector.broadcast %max3A_152 : f32 to vector<16xf32>
      %max3A_154 = arith.maximumf %sub3A_151, %max3A_153 : vector<16xf32>
      %sub3A_155 = arith.subf %max3A_148, %max3A_154 : vector<16xf32>
      %jit3A = arith.constant 8 : i32
      %div3A = arith.divsi %scan3A_115, %jit3A : i32
      %sign3A = arith.constant 0 : i32
      %sign3A_156 = arith.cmpi sgt, %scan3A_115, %sign3A : i32
      %sign3A_157 = arith.extui %sign3A_156 : i1 to i32
      %sign3A_158 = arith.constant 0 : i32
      %sign3A_159 = arith.cmpi slt, %scan3A_115, %sign3A_158 : i32
      %sign3A_160 = arith.extui %sign3A_159 : i1 to i32
      %sign3A_161 = arith.subi %sign3A_157, %sign3A_160 : i32
      %sign3A_162 = arith.constant 0 : i32
      %sign3A_163 = arith.cmpi sgt, %jit3A, %sign3A_162 : i32
      %sign3A_164 = arith.extui %sign3A_163 : i1 to i32
      %sign3A_165 = arith.constant 0 : i32
      %sign3A_166 = arith.cmpi slt, %jit3A, %sign3A_165 : i32
      %sign3A_167 = arith.extui %sign3A_166 : i1 to i32
      %sign3A_168 = arith.subi %sign3A_164, %sign3A_167 : i32
      %ne3A = arith.cmpi ne, %sign3A_161, %sign3A_168 : i32
      %rem3A = arith.remsi %scan3A_115, %jit3A : i32
      %ne3A_169 = arith.constant 0 : i32
      %ne3A_170 = arith.cmpi ne, %rem3A, %ne3A_169 : i32
      %and3A_171 = arith.andi %ne3A, %ne3A_170 : i1
      %sub3A_172 = arith.constant 1 : i32
      %sub3A_173 = arith.subi %div3A, %sub3A_172 : i32
      %select_n3A = arith.select %and3A_171, %sub3A_173, %div3A : i32
      %jit3A_174 = arith.constant 8 : i32
      %eq3A = arith.constant 0 : i32
      %eq3A_175 = arith.cmpi eq, %jit3A_174, %eq3A : i32
      %jit3A_176 = arith.constant 1 : i32
      %select_n3A_177 = arith.select %eq3A_175, %jit3A_176, %jit3A_174 : i32
      %rem3A_178 = arith.remsi %scan3A_115, %select_n3A_177 : i32
      %ne3A_179 = arith.constant 0 : i32
      %ne3A_180 = arith.cmpi ne, %rem3A_178, %ne3A_179 : i32
      %lt3A = arith.constant 0 : i32
      %lt3A_181 = arith.cmpi slt, %rem3A_178, %lt3A : i32
      %lt3A_182 = arith.constant 0 : i32
      %lt3A_183 = arith.cmpi slt, %select_n3A_177, %lt3A_182 : i32
      %ne3A_184 = arith.xori %lt3A_181, %lt3A_183 : i1
      %and3A_185 = arith.andi %ne3A_184, %ne3A_180 : i1
      %add3A_186 = arith.addi %rem3A_178, %select_n3A_177 : i32
      %select_n3A_187 = arith.select %and3A_185, %add3A_186, %rem3A_178 : i32
      %mul3A_188 = arith.constant 16 : i32
      %mul3A_189 = arith.muli %select_n3A_187, %mul3A_188 : i32
      %swap3A = arith.index_cast %select_n3A : i32 to index
      %swap3A_190 = arith.index_cast %mul3A_189 : i32 to index
      %swap3A_191 = tpu.vector_load %arg15[%swap3A, %swap3A_190] {strides = array<i32>} : memref<4x128xf32, #tpu.memory_space<vmem>>, vector<16xf32>,
      tpu.vector_store %arg15[%swap3A, %swap3A_190], %sub3A_155 {strides = array<i32>} : memref<4x128xf32, #tpu.memory_space<vmem>>, vector<16xf32>,
    }
    %scan3A_112 = arith.constant 32 : i32
    %mul3A_113 = arith.constant 4 : i32
    %mul3A_114 = arith.muli %add3A, %mul3A_113 : i32
    "tpu.region"() ({
      %run_scoped3A = tpu.sem_alloc : memref<!tpu.dma_semaphore, #tpu.memory_space<semaphore_mem>>
      %dma_start3A_115 = arith.constant 0 : i32
      %dma_start3A_116 = tpu.memref_slice %arg5[%mul3A_114, %dma_start3A_115] : memref<128x128xf32, #tpu.memory_space<hbm>> -> memref<4x128xf32, #tpu.memory_space<hbm>>
      %dma_start3A_117 = arith.constant 0 : i32
      %dma_start3A_118 = tpu.memref_slice %arg5[%mul3A_114, %dma_start3A_117] : memref<128x128xf32, #tpu.memory_space<hbm>> -> memref<4x128xf32, #tpu.memory_space<hbm>>
      tpu.enqueue_dma source(%arg15 : memref<4x128xf32, #tpu.memory_space<vmem>>) target(%dma_start3A_118 : memref<4x128xf32, #tpu.memory_space<hbm>>) target_semaphore(%run_scoped3A : memref<!tpu.dma_semaphore, #tpu.memory_space<semaphore_mem>>)
      %dma_wait3A_119 = arith.constant 0 : i32
      %dma_wait3A_120 = tpu.memref_slice %arg5[%mul3A_114, %dma_wait3A_119] : memref<128x128xf32, #tpu.memory_space<hbm>> -> memref<4x128xf32, #tpu.memory_space<hbm>>
      %dma_wait3A_121 = arith.constant 0 : i32
      %dma_wait3A_122 = tpu.memref_slice %arg5[%mul3A_114, %dma_wait3A_121] : memref<128x128xf32, #tpu.memory_space<hbm>> -> memref<4x128xf32, #tpu.memory_space<hbm>>
      tpu.wait_dma2 semaphore(%run_scoped3A : memref<!tpu.dma_semaphore, #tpu.memory_space<semaphore_mem>>) src(%arg15 : memref<4x128xf32, #tpu.memory_space<vmem>>) dst(%dma_wait3A_122 : memref<4x128xf32, #tpu.memory_space<hbm>>)
      tpu.yield
    }) : () -> ()
    return
  }
}

module attributes {stable_mosaic.version = 14 : i64} {
  func.func @_tc_loss_body(%arg0: memref<128x128xf32, #tpu.memory_space<vmem>>, %arg1: memref<1x1xf32, #tpu.memory_space<vmem>>) attributes {dimension_semantics = [], scalar_prefetch = 0 : i64, scratch_operands = 0 : i64, tpu.core_type = #tpu.core_type<tc>} {
    %get3A = arith.constant 0 : index
    %get3A_0 = arith.constant 0 : index
    %get3A_1 = vector.load %arg0[%get3A, %get3A_0] : memref<128x128xf32, #tpu.memory_space<vmem>>, vector<128x128xf32>
    %exp3A = math.exp %get3A_1 : vector<128x128xf32>
    %add3A = arith.constant 1.000000e+00 : f32
    %add3A_2 = vector.broadcast %add3A : f32 to vector<128x128xf32>
    %add3A_3 = arith.addf %add3A_2, %exp3A : vector<128x128xf32>
    %log3A = math.log %add3A_3 : vector<128x128xf32>
    %reduce_sum3A = vector.shape_cast %log3A : vector<128x128xf32> to vector<1x128x128xf32>
    %reduce_sum3A_4 = arith.constant dense<0.000000e+00> : vector<1xf32>
    %reduce_sum3A_5 = vector.multi_reduction <add>, %reduce_sum3A, %reduce_sum3A_4 [1, 2] : vector<1x128x128xf32> to vector<1xf32>
    %reduce_sum3A_6 = vector.shape_cast %reduce_sum3A_5 : vector<1xf32> to vector<1x1x1xf32>
    %reduce_sum3A_7 = vector.extract %reduce_sum3A_6[0, 0, 0] : f32 from vector<1x1x1xf32>
    %div3A = arith.constant 1.638400e+04 : f32
    %div3A_8 = arith.divf %reduce_sum3A_7, %div3A : f32
    %reshape3A = vector.broadcast %div3A_8 : f32 to vector<1x1xf32>
    %swap3A = arith.constant 0 : index
    %swap3A_9 = arith.constant 0 : index
    %swap3A_10 = vector.load %arg1[%swap3A, %swap3A_9] : memref<1x1xf32, #tpu.memory_space<vmem>>, vector<1x1xf32>
    tpu.vector_store %arg1[%swap3A, %swap3A_9], %reshape3A {strides = array<i32>} : memref<1x1xf32, #tpu.memory_space<vmem>>, vector<1x1xf32>,
    return
  }
}

module attributes {stable_mosaic.version = 14 : i64} {
  func.func @_mm_body(%arg0: i32, %arg1: memref<4096x512xf32, #tpu.memory_space<vmem>>, %arg2: memref<512x32x128xf32, #tpu.memory_space<vmem>>, %arg3: memref<32x128xf32, #tpu.memory_space<vmem>>, %arg4: memref<4096x512xbf16, #tpu.memory_space<vmem>>) attributes {dimension_semantics = [#tpu.dimension_semantics<arbitrary>], iteration_bounds = array<i64: 8>, scalar_prefetch = 0 : i64, scratch_operands = 1 : i64, tpu.core_type = #tpu.core_type<tc>, window_params = [{pipeline_mode = #tpu.pipeline_mode<synchronous>, transform_indices = @transform_0, window_bounds = array<i64: 4096, 512>}, {transform_indices = @transform_1, window_bounds = array<i64: 512, 32, 128>}, {pipeline_mode = #tpu.pipeline_mode<synchronous>, transform_indices = @transform_2, window_bounds = array<i64: 32, 128>}]} {
    %eq3A = arith.constant 0 : i32
    %eq3A_0 = arith.cmpi eq, %arg0, %eq3A : i32
    %convert_element_type3A = arith.extui %eq3A_0 : i1 to i32
    %cond3A = arith.constant 0 : i32
    %cond3A_1 = arith.cmpi ne, %convert_element_type3A, %cond3A : i32
    scf.if %cond3A_1 {
      %get3A_12 = arith.constant 0 : index
      %get3A_13 = arith.constant 0 : index
      %get3A_14 = vector.load %arg1[%get3A_12, %get3A_13] : memref<4096x512xf32, #tpu.memory_space<vmem>>, vector<4096x512xf32>
      %convert_element_type3A_15 = arith.truncf %get3A_14 : vector<4096x512xf32> to vector<4096x512xbf16>
      %swap3A_16 = arith.constant 0 : index
      %swap3A_17 = arith.constant 0 : index
      %swap3A_18 = vector.load %arg4[%swap3A_16, %swap3A_17] : memref<4096x512xbf16, #tpu.memory_space<vmem>>, vector<4096x512xbf16>
      tpu.vector_store %arg4[%swap3A_16, %swap3A_17], %convert_element_type3A_15 {strides = array<i32>} : memref<4096x512xbf16, #tpu.memory_space<vmem>>, vector<4096x512xbf16>,
      %mul3A_19 = arith.mulf %get3A_14, %get3A_14 : vector<4096x512xf32>
      %reduce_sum3A = arith.constant dense<0.000000e+00> : vector<4096xf32>
      %reduce_sum3A_20 = vector.multi_reduction <add>, %mul3A_19, %reduce_sum3A [1] : vector<4096x512xf32> to vector<4096xf32>
      %reshape3A_21 = vector.shape_cast %reduce_sum3A_20 : vector<4096xf32> to vector<32x128xf32>
      %swap3A_22 = arith.constant 0 : index
      %swap3A_23 = arith.constant 0 : index
      %swap3A_24 = vector.load %arg3[%swap3A_22, %swap3A_23] : memref<32x128xf32, #tpu.memory_space<vmem>>, vector<32x128xf32>
      tpu.vector_store %arg3[%swap3A_22, %swap3A_23], %reshape3A_21 {strides = array<i32>} : memref<32x128xf32, #tpu.memory_space<vmem>>, vector<32x128xf32>,
    } else {
    }
    %mul3A = arith.constant 512 : i32
    %mul3A_2 = arith.muli %arg0, %mul3A : i32
    %get3A = arith.index_cast %mul3A_2 : i32 to index
    %get3A_3 = arith.constant 0 : index
    %get3A_4 = vector.load %arg4[%get3A, %get3A_3] : memref<4096x512xbf16, #tpu.memory_space<vmem>>, vector<512x512xbf16>
    %get3A_5 = arith.constant 0 : index
    %get3A_6 = arith.constant 0 : index
    %get3A_7 = vector.load %arg4[%get3A_5, %get3A_6] : memref<4096x512xbf16, #tpu.memory_space<vmem>>, vector<4096x512xbf16>
    %dot_general3A = arith.constant dense<0.000000e+00> : vector<512x4096xf32>
    %dot_general3A_8 = tpu.matmul %get3A_4, %get3A_7, %dot_general3A {dimension_numbers = #tpu.dot_dimension_numbers<[1], [1], [0], [0], [0, 0, 1, 0], [], []>, transpose_lhs_hint = false} : vector<512x512xbf16>, vector<4096x512xbf16>, vector<512x4096xf32> -> vector<512x4096xf32>
    %reshape3A = vector.shape_cast %dot_general3A_8 : vector<512x4096xf32> to vector<512x32x128xf32>
    %swap3A = arith.constant 0 : index
    %swap3A_9 = arith.constant 0 : index
    %swap3A_10 = arith.constant 0 : index
    %swap3A_11 = vector.load %arg2[%swap3A, %swap3A_9, %swap3A_10] : memref<512x32x128xf32, #tpu.memory_space<vmem>>, vector<512x32x128xf32>
    tpu.vector_store %arg2[%swap3A, %swap3A_9, %swap3A_10], %reshape3A {strides = array<i32>} : memref<512x32x128xf32, #tpu.memory_space<vmem>>, vector<512x32x128xf32>,
    return
  }
  func.func @transform_0(%arg0: i32) -> (i32, i32) {
    %c0_i32 = arith.constant 0 : i32
    %c0_i32_0 = arith.constant 0 : i32
    %c0_i32_1 = arith.constant 0 : i32
    return %c0_i32, %c0_i32_0 : i32, i32
  }
  func.func @transform_1(%arg0: i32) -> (i32, i32, i32) {
    %c0_i32 = arith.constant 0 : i32
    %c0_i32_0 = arith.constant 0 : i32
    %c0_i32_1 = arith.constant 0 : i32
    return %arg0, %c0_i32, %c0_i32_0 : i32, i32, i32
  }
  func.func @transform_2(%arg0: i32) -> (i32, i32) {
    %c0_i32 = arith.constant 0 : i32
    %c0_i32_0 = arith.constant 0 : i32
    %c0_i32_1 = arith.constant 0 : i32
    return %c0_i32, %c0_i32_0 : i32, i32
  }
}

</mosaic_0001>

<sc_bundles>
// kernel: kernel.5.cloned.1.call-start
scs
__scs_entry_jumppad:
0x0: {  	(pc) =	sbr.rel $0x88, $3  }
0x1: {  	(tag) =	ssettag $0x0;
	lr =	simm.s32 $0x1  }
0x2: {  	[smem:$0x3F9F] =	sst lr;
	_ =	strace $0xD0000000  }
0x3: {  	_ = 	snop  }
0x4: {  	_ = 	snop  }
0x5: {  	_ = 	snop  }
0x6: {  	_ = 	snop  }
0x7: {  	_ = 	snop  }
__scs_overlays_trampoline_lowered:
0x8: {  	[smem:$0x3FAE] =	sst s0  }
0x9: {  	[smem:$0x3FAF] =	sst s1  }
0xa: {  	[smem:$0x3FB0] =	sst s2  }
0xb: {  	[smem:$0x3FB1] =	sst s3  }
0xc: {  	[smem:$0x3FB2] =	sst s4  }
0xd: {  	[smem:$0x3FB3] =	sst s5  }
0xe: {  	[smem:$0x3FB4] =	sst s6  }
0xf: {  	[smem:$0x3FB5] =	sst s7  }
0x10: {  	[smem:$0x3FB6] =	sst s8  }
0x11: {  	[smem:$0x3FB7] =	sst s9;
	s0 =	simm.s32 @!p0 $0x0  }
0x12: {  	s1 =	sld [smem:$0x3F9D];
	s0 =	simm.s32 @p0 $0x1  }
0x13: {  	[smem:$0x3FB8] =	sst s0;
	s0 =	simm.s32 @!p1 $0x0  }
0x14: {  	s2 =	sld [smem:$0x3F9C];
	s0 =	simm.s32 @p1 $0x1  }
0x15: {  	[smem:$0x3FB9] =	sst s0;
	s0 =	simm.s32 @!p2 $0x0  }
0x16: {  	s3 =	sld [smem:$0x3FDB];
	s0 =	simm.s32 @p2 $0x1  }
0x17: {  	s4 =	simm.s32 $0x1BF5;
	[smem:$0x3FBB] =	sst s0  }
0x18: {  	s0 =	sld [smem:$0x3F9E];
	_ =	swait.ge [sflag:s4], $0x0  }
0x19: {  	s7 =	sld [smem:$0x3F9F]  }
0x1a: {  	s8 =	sadd.s32 $0xFFFFE003, lr  }
0x1b: {  	s9 =	sadd.s32 $0xFFFFFEF7, lr;
	s5 =	simm.s32 $0xFFFFFFFF;
	p2 =	slt.u32 s8, $0xFFFFF086  }
0x1c: {  	p1 =	slt.u32 s9, $0xF7A;
	s5 =	simm.s32 @!p2 $0x0  }
0x1d: {  	s5 =	simm.s32 @p1 $0x1;
	p0 =	seq.s32 s7, s2  }
0x1e: {  	s7 =	smul.u32 @!p0 $0xF7A, s2;
	p2 =	seq.s32 @!p0 s5, $0x0  }
0x1f: {  	s9 =	smul.u32 $0xF7A, s1;
	s8 =	simm.s32 @!p0 $0x1BF5;
	p2 =	por !p2, p0  }
0x20: {  	[sflag:s8] =	ssyncset.s32 @!p0 $0xFFFFF086;
	s6 =	sadd.s32 @!p0 s3, s7;
	s7 =	simm.s32 @!p0 $0x108  }
0x21: {  	s3 =	sadd.s32 s3, s9;
	s6 =	sadd.s32 @!p0 $0x88, s6;
	s7 =	simm.s32 @p2 $0x1082  }
0x22: {  	[simem:s7], [sflag:s8] =	dma.local @!p0 [hbm:s6], $0xF7A  }
0x23: {  	s9 =	sor.u32 $0xD0000000, s2;
	s6 =	simm.s32 $0x108;
	_ =	swait.ge @!p0 [sflag:s8], $0x0  }
0x24: {  	s3 =	sadd.s32 $0x88, s3;
	s6 =	simm.s32 @!p1 $0x1082;
	[sflag:s4] =	ssyncset.s32 $0xFFFFF086  }
0x25: {  	[simem:s6], [sflag:s4] =	dma.local [hbm:s3], $0xF7A  }
0x26: {  	[smem:$0x3F9F] =	sst s1;
	(tag) =	ssettag s2;
	_ =	strace s9  }
0x27: {  	s1 =	sld [smem:$0x3FAF]  }
0x28: {  	s2 =	sld [smem:$0x3FB0]  }
0x29: {  	s4 =	sld [smem:$0x3FB2]  }
0x2a: {  	p0 =	seq.s32 s5, $0x0;
	s5 =	sld [smem:$0x3FB3]  }
0x2b: {  	s6 =	sld [smem:$0x3FB4]  }
0x2c: {  	s7 =	sld [smem:$0x3FB5]  }
0x2d: {  	s3 =	simm.s32 $0x108;
	s8 =	sld [smem:$0x3FB6]  }
0x2e: {  	s3 =	simm.s32 @!p0 $0x1082;
	s9 =	sld [smem:$0x3FB7]  }
0x2f: {  	lr =	sadd.s32 s0, s3;
	s0 =	sld [smem:$0x3FAE]  }
0x30: {  	s3 =	sld [smem:$0x3FB1]  }
0x31: {  	[smem:$0x3FBA] =	sst s10  }
0x32: {  	s10 =	sld [smem:$0x3FB8];
	_ =	sdelay $0x3  }
0x33: {  	p0 =	seq.s32 s10, $0x1;
	s10 =	sld [smem:$0x3FBA];
	_ =	sdelay $0x3  }
0x34: {  	[smem:$0x3FBA] =	sst s10  }
0x35: {  	s10 =	sld [smem:$0x3FB9];
	_ =	sdelay $0x3  }
0x36: {  	p1 =	seq.s32 s10, $0x1;
	s10 =	sld [smem:$0x3FBA];
	_ =	sdelay $0x3  }
0x37: {  	[smem:$0x3FBA] =	sst s10  }
0x38: {  	s10 =	sld [smem:$0x3FBB]  }
0x39: {  	_ = 	snop;
	(pc) =	sbr.ind lr, $3  }
0x3a: {  	_ = 	snop  }
0x3b: {  	_ = 	snop  }
0x3c: {  	p2 =	seq.s32 s10, $0x1;
	s10 =	sld [smem:$0x3FBA]  }
0x3d: {  	_ =	shalt  }
0x3e: {  	_ =	shalt  }
0x3f: {  	_ =	shalt  }
0x40: {  	_ =	shalt  }
0x41: {  	_ =	shalt  }
0x42: {  	_ =	shalt  }
0x43: {  	_ =	shalt  }
0x44: {  	_ =	shalt  }
0x45: {  	_ =	shalt  }
0x46: {  	_ =	shalt  }
0x47: {  	_ =	shalt  }
0x48: {  	_ =	shalt  }
0x49: {  	_ =	shalt  }
0x4a: {  	_ =	shalt  }
0x4b: {  	_ =	shalt  }
0x4c: {  	_ =	shalt  }
0x4d: {  	_ =	shalt  }
0x4e: {  	_ =	shalt  }
0x4f: {  	_ =	shalt  }
0x50: {  	_ =	shalt  }
0x51: {  	_ =	shalt  }
0x52: {  	_ =	shalt  }
0x53: {  	_ =	shalt  }
0x54: {  	_ =	shalt  }
0x55: {  	_ =	shalt  }
0x56: {  	_ =	shalt  }
0x57: {  	_ =	shalt  }
0x58: {  	_ =	shalt  }
0x59: {  	_ =	shalt  }
0x5a: {  	_ =	shalt  }
0x5b: {  	_ =	shalt  }
0x5c: {  	_ =	shalt  }
0x5d: {  	_ =	shalt  }
0x5e: {  	_ =	shalt  }
0x5f: {  	_ =	shalt  }
0x60: {  	_ =	shalt  }
0x61: {  	_ =	shalt  }
0x62: {  	_ =	shalt  }
0x63: {  	_ =	shalt  }
0x64: {  	_ =	shalt  }
0x65: {  	_ =	shalt  }
0x66: {  	_ =	shalt  }
0x67: {  	_ =	shalt  }
0x68: {  	_ =	shalt  }
0x69: {  	_ =	shalt  }
0x6a: {  	_ =	shalt  }
0x6b: {  	_ =	shalt  }
0x6c: {  	_ =	shalt  }
0x6d: {  	_ =	shalt  }
0x6e: {  	_ =	shalt  }
0x6f: {  	_ =	shalt  }
0x70: {  	_ =	shalt  }
0x71: {  	_ =	shalt  }
0x72: {  	_ =	shalt  }
0x73: {  	_ =	shalt  }
0x74: {  	_ =	shalt  }
0x75: {  	_ =	shalt  }
0x76: {  	_ =	shalt  }
0x77: {  	_ =	shalt  }
0x78: {  	_ =	shalt  }
0x79: {  	_ =	shalt  }
0x7a: {  	_ =	shalt  }
0x7b: {  	_ =	shalt  }
0x7c: {  	_ =	shalt  }
0x7d: {  	_ =	shalt  }
0x7e: {  	_ =	shalt  }
0x7f: {  	_ =	shalt  }
0x80: {  	_ =	shalt  }
0x81: {  	_ =	shalt  }
0x82: {  	_ =	shalt  }
0x83: {  	_ =	shalt  }
0x84: {  	_ =	shalt  }
0x85: {  	_ =	shalt  }
0x86: {  	_ =	shalt  }
0x87: {  	_ =	shalt  }
.Lfunc_end0:
.L_simem_size_0:
called_computation_lowered:
.L_overlay_start_0:
0x88: {  	s2 =	sld [smem:$0x3FD9]  }
0x89: {  	s3 =	sld [smem:$0x3FFE];
	_ =	sdelay $0x1  }
0x8a: {  	s1 =	srdreg.scid  }
0x8b: {  	s0 =	sand.u32 $0x1, s1  }
0x8c: {  	s16 =	sshll.u32 s0, $0xA;
	s2 =	sadd.s32 s3, s2  }
0x8d: {  	s2 =	sadd.s32 s2, s16  }
0x8e: {  	[smem:$0x3FC6] =	sst s2  }
0x8f: {  	_ = 	snop  }
0x90: {  	(tm) =	ssettm $0x1  }
0x91: {  	s17 =	sld [smem:$0x3FFB];
	_ =	sdelay $0x3  }
0x92: {  	_ =	strace s17  }
0x93: {  	s2 =	sld [smem:$0x3FFC];
	_ =	sdelay $0x3  }
0x94: {  	_ =	strace s2  }
0x95: {  	s2 =	sld [smem:$0x3FFD];
	_ =	sdelay $0x3  }
0x96: {  	_ =	strace s2  }
0x97: {  	_ =	strace $0x8FFFFFFF  }
0x98: {  	s18 =	sld [smem:$0x3FDB];
	_ =	sdelay $0x1  }
0x99: {  	s19 =	simm.s32 $_scs_section_size  }
0x9a: {  	s4 =	simm.s32 $_size__tile_overlayer_lowered;
	s5 =	simm.s32 $_tile_overlayer_lowered  }
0x9b: {  	s22 =	simm.s32 $0x1BFF;
	s21 =	sshll.u32 s5, $0x1;
	s2 =	sadd.s32 s19, s18  }
0x9c: {  	s6 =	simm.s32 $0x0;
	s20 =	sshll.u32 s4, $0x1;
	s4 =	sadd.s32 s21, s2  }
0x9d: {  	[timem:s6], [sflag:s22] =	dma.local [hbm:s4], s20  }
0x9e: {  	_ =	swait.ge [sflag:s22], s20  }
0x9f: {  	s3 =	ssub.s32 $0x0, s20;
	[sflag:s22] =	ssyncset.done $0x0  }
0xa0: {  	[sflag:s22] =	ssyncadd.s32 s3;
	_ =	sdelay $0x1  }
0xa1: {  	s23 =	simm.s32 $0x1B8B  }
0xa2: {  	_ =	swait.ge [sflag:s23], $0x1  }
0xa3: {  	[sflag:s23] =	ssyncset.done $0x0  }
0xa4: {  	s25 =	simm.s32 $0x1B8E;
	s24 =	sld [smem:$0x3FFE];
	[sflag:s23] =	ssyncadd.s32 $0xFFFFFFFF  }
0xa5: {  	s26 =	simm.s32 $execute0_lowered;
	[smem:$0x3FD2] =	sst s25  }
0xa6: {  	s4 =	sshll.u32 s26, $0x1;
	_ =	strace $0x80000046;
	[dreg:$0x1] =	wrdreg $0xFFFFFFFF  }
0xa7: {  	s28 =	simm.s32 $_size_execute0_lowered;
	s2 =	sadd.s32 s2, s4;
	[dreg:$0x0] =	wrdreg $0x0  }
0xa8: {  	s4 =	sshll.u32 s28, $0x1;
	[dreg:$0x2] =	wrdreg s2  }
0xa9: {  	[dreg:$0x3] =	wrdreg s4  }
0xaa: {  	[dreg:$0x4] =	wrdreg $0xC0  }
0xab: {  	_ =	task [dreg:s6], $0x5FFFF  }
0xac: {  	[dreg:$0x1] =	wrdreg $0xFFFFFFFF  }
0xad: {  	[dreg:$0x0] =	wrdreg $0x60  }
0xae: {  	[dreg:$0x2] =	wrdreg s24  }
0xaf: {  	[dreg:$0x3] =	wrdreg $0x9  }
0xb0: {  	_ =	task.clear_ibuf [dreg:s6], $0x4FFFF;
	_ =	strace $0x90000046  }
0xb1: {  	s29 =	simm.s32 $0x9;
	_ =	strace $0x80000048  }
0xb2: {  	_ =	swait.ge [sflag:s29], $0x1  }
0xb3: {  	[sflag:s29] =	ssyncadd.s32 $0xFFFFFFFF  }
0xb4: {  	_ =	strace $0x90000048  }
0xb5: {  	_ =	sfence  }
0xb6: {  	s30 =	sld [smem:$0x0];
	_ =	sdelay $0x2  }
0xb7: {  	s31 =	sshll.u32 s1, $0xD;
	s1 =	sshrl.u32 s1, $0x2  }
0xb8: {  	s3 =	sand.u32 $0x4000, s31;
	s1 =	sadd.s32 s1, s30  }
0xb9: {  	s0 =	sor.u32 s3, s0;
	s1 =	sshll.u32 s1, $0x11  }
0xba: {  	s0 =	sor.u32 s1, s0  }
0xbb: {  	s0 =	sadd.s32 $0x8F2B, s0  }
0xbc: {  	[sflag:s0] =	ssyncadd.remote.s32 $0x1  }
0xbd: {  	_ =	sfence.sel $0xFFFF  }
0xbe: {  	[dreg:$0x0] =	wrdreg $0xFFFFFFFF;
	(pc) =	sbr.abs _section_cstart, $3  }
0xbf: {  	[dreg:$0x1] =	wrdreg $0xFFFFFFFF  }
0xc0: {  	_ =	task.clear_ibuf [dreg:s6], $0x2FFFF;
	_ =	strace $0x9FFFFFFF  }
0xc1: {  	(tm) =	ssettm $0x7FFFFFFF  }
tec
execute0_lowered:
.L_overlay_start_1:
0x0: {  	(tag) =	ssettag $0x1  }
0x1: {  	s0 =	srdreg.scid  }
0x2: {  	s7 =	stileid.u32;
	s1 =	rddreg [dreg:$0x0]  }
0x3: {  	s2 =	simm.s32 $0x0;
	s8 =	simm.s32 $0x2;
	s9 =	simm.s32 $0x1000  }
0x4: {  	s10 =	simm.s32 $0x80;
	s11 =	simm.s32 $0x1C00;
	s18 =	simm.s32 $0x2280  }
0x5: {  	s19 =	simm.s32 $0x1D00;
	s20 =	simm.s32 $0x2100;
	s21 =	simm.s32 $0x1F00  }
0x6: {  	s22 =	simm.s32 $0x2300;
	s23 =	simm.s32 $0x1D80;
	s24 =	simm.s32 $0x2180  }
0x7: {  	s25 =	simm.s32 $0x1F80;
	s26 =	simm.s32 $0x2380;
	s28 =	simm.s32 $0x1  }
0x8: {  	s29 =	simm.s32 $0x2400;
	s0 =	sand.u32 $0x1, s0;
	s3 =	sshll.u32 s7, $0x1  }
0x9: {  	s30 =	simm.s32 $0x0;
	[smem:$0x7FF] =	sst s2;
	s3 =	sor.u32 s0, s3  }
0xa: {  	s4 =	sadd.s32 $0x202A00, s1;
	s7 =	sshll.u32 s7, $0x7;
	s5 =	smul.u32 $0xC0, s3  }
0xb: {  	v0 =	vlaneseq.u32;
	s6 =	sshll.u32 s0, $0x6;
	s0 =	ssub.s32 $0x2, s0;
	s3 =	sadd.s32 $0x2A00, s1  }
0xc: {  	v0 =	vmul.u32 $0x3, v0;
	s31 =	sshrl.u32 s0, $0x1;
	s5 =	sadd.s32 s5, s1;
	s1 =	sadd.s32 s6, s1  }
0xd: {  	_ =	strace $0x80000047;
	s0 =	ssub.s32 s0, s31;
	s1 =	sadd.s32 s7, s1  }
0xe: {  	v1 =	vadd.s32 $0x1, v0;
	v2 =	vadd.s32 $0x2, v0;
	s5 =	sadd.s32 $0x1200, s5;
	s7 =	smax.u32 s0, $0x1;
	s6 =	sadd.s32 $0x202C00, s1  }
.LBB2_1:
0xf: {  	[tilespmem:s2], [sflag:$0x2] =	stream.linear.gather [hbm4b:s4+s2], $0x1000, $0x38;
	[tilespmem:$0x2600] =	vst v63  }
0x10: {  	_ =	swait.ge [sflag:s8], $0x1000  }
0x11: {  	[sflag:s8] =	ssyncset.done $0x0  }
0x12: {  	v3 =	vadd.s32 s2, v0;
	[sflag:s8] =	ssyncadd.s32 $0xFFFFF000  }
0x13: {  	v4 =	vadd.s32 s2, v1;
	[tilespmem:s9], [sflag:$0x2] =	stream.linear.gather [hbm4b:s5+s2], $0x600, $0x38;
	[tilespmem:$0x2600] =	vst v63  }
0x14: {  	v5 =	vadd.s32 s2, v2;
	_ =	swait.ge [sflag:s8], $0x600  }
0x15: {  	[sflag:s8] =	ssyncset.done $0x0  }
0x16: {  	[sflag:s8] =	ssyncadd.s32 $0xFFFFFA00  }
0x17: {  	v3 =	vld.idx.msk [tilespmem:v3+s9+$0x0], $0xffff  }
0x18: {  	v4 =	vld.idx.msk [tilespmem:v4+s9+$0x0], $0xffff  }
0x19: {  	v6 =	vld.idx.msk [tilespmem:v5+s9+$0x0], $0xffff;
	_ =	sdelay $0x1  }
0x1a: {  	s31 =	simm.s32 $0x1600  }
0x1b: {  	s1 =	simm.s32 $0x1800;
	s12 =	simm.s32 $0x30;
	[tilespmem:s31+$0x0] =	vst v3  }
0x1c: {  	s0 =	simm.s32 $0x1A00;
	v7 =	vshll.u32 v3, $0xC;
	v3 =	vadd.s32 s12, v0;
	[tilespmem:s1+$0x0] =	vst v4  }
0x1d: {  	s15 =	simm.s32 $0x60;
	s13 =	simm.s32 $0x1C10;
	v8 =	vadd.s32 v4, v7;
	v4 =	vadd.s32 s12, v1;
	[tilespmem:s0+$0x0] =	vst v6  }
0x1e: {  	s14 =	simm.s32 $0x1E00;
	v5 =	vadd.s32 s12, v2;
	s12 =	simm.s32 $0x1E10;
	s0 =	simm.s32 $0x1A10;
	v6 =	vadd.s32 v7, v6;
	[tilespmem:s11+$0x0] =	vst v8  }
.LBB2_2:
0x1f: {  	s31 =	sadd.s32 $0x10, s31;
	s1 =	sadd.s32 $0x10, s1  }
0x20: {  	[tilespmem:s14+$0x0] =	vst v6;
	s16 =	smov.u32 s15;
	s17 =	sadd.s32 $0x30, s15;
	s14 =	smov.u32 s12  }
0x21: {  	p0 =	sne.s32 s15, $0x5D0;
	v6 =	vld.idx.msk [tilespmem:v3+s9+$0x0], $0xffff  }
0x22: {  	v7 =	vld.idx.msk [tilespmem:v4+s9+$0x0], $0xffff  }
0x23: {  	v8 =	vld.idx.msk [tilespmem:v5+s9+$0x0], $0xffff;
	_ =	sdelay $0x2  }
.Ltmp0:
0x24: {  	(pc) =	sbr.rel @p0 .LBB2_2-.Ltmp0, $4  }
0x25: {  	v3 =	vadd.s32 s16, v0;
	[tilespmem:s31+$0x0] =	vst v6;
	v6 =	vshll.u32 v6, $0xC  }
0x26: {  	v4 =	vadd.s32 s16, v1;
	[tilespmem:s1+$0x0] =	vst v7;
	v7 =	vadd.s32 v7, v6  }
0x27: {  	s12 =	sadd.s32 $0x10, s12;
	v5 =	vadd.s32 s16, v2;
	v6 =	vadd.s32 v6, v8;
	[tilespmem:s0+$0x0] =	vst v8  }
0x28: {  	s15 =	smov.u32 s17;
	s0 =	sadd.s32 $0x10, s0;
	[tilespmem:s13+$0x0] =	vst v7;
	s13 =	sadd.s32 $0x10, s13  }
0x29: {  	_ =	sdelay $0x2  }
0x2a: {  	[tilespmem:s14+$0x0] =	vst v6  }
0x2b: {  	v3 =	vld.idx.msk [tilespmem:v3+s9+$0x0], $0xffff  }
0x2c: {  	v4 =	vld.idx.msk [tilespmem:v4+s9+$0x0], $0xffff  }
0x2d: {  	v5 =	vld.idx.msk [tilespmem:v5+s9+$0x0], $0xffff;
	_ =	sdelay $0x1  }
0x2e: {  	s17 =	sadd.s32 $0x10, s31  }
0x2f: {  	s1 =	sadd.s32 $0x10, s1;
	[tilespmem:s17+$0x0] =	vst v3  }
0x30: {  	v3 =	vshll.u32 v3, $0xC;
	[tilespmem:s1+$0x0] =	vst v4  }
0x31: {  	v4 =	vadd.s32 v4, v3;
	[tilespmem:s0+$0x0] =	vst v5  }
0x32: {  	v3 =	vadd.s32 v3, v5;
	[tilespmem:s13+$0x0] =	vst v4  }
0x33: {  	s15 =	simm.s32 $0x2000;
	[tilespmem:s12+$0x0] =	vst v3  }
0x34: {  	[tilespmem:s15], [sflag:$0x1] =	stream.indirect.gather [hbm4b:s3+s10], $0x1, s11, s10, $0xb8;
	[tilespmem:$0x2600] =	vst v63  }
0x35: {  	s16 =	simm.s32 $0x1E00;
	s17 =	simm.s32 $0x2200  }
0x36: {  	[tilespmem:s17], [sflag:$0x1] =	stream.indirect.gather [hbm4b:s3+s10], $0x1, s16, s10, $0xb8;
	[tilespmem:$0x2600] =	vst v63  }
0x37: {  	s13 =	simm.s32 $0x2080;
	s12 =	simm.s32 $0x1C80  }
0x38: {  	[tilespmem:s13], [sflag:$0x1] =	stream.indirect.gather [hbm4b:s3+s10], $0x1, s12, s10, $0xb8;
	[tilespmem:$0x2600] =	vst v63  }
0x39: {  	s14 =	simm.s32 $0x1E80  }
0x3a: {  	[tilespmem:s18], [sflag:$0x1] =	stream.indirect.gather [hbm4b:s3+s10], $0x1, s14, s10, $0xb8;
	[tilespmem:$0x2600] =	vst v63  }
0x3b: {  	_ = 	snop  }
0x3c: {  	[tilespmem:s20], [sflag:$0x1] =	stream.indirect.gather [hbm4b:s3+s10], $0x1, s19, s10, $0xb8;
	[tilespmem:$0x2600] =	vst v63  }
0x3d: {  	_ = 	snop  }
0x3e: {  	[tilespmem:s22], [sflag:$0x1] =	stream.indirect.gather [hbm4b:s3+s10], $0x1, s21, s10, $0xb8;
	[tilespmem:$0x2600] =	vst v63  }
0x3f: {  	_ = 	snop  }
0x40: {  	[tilespmem:s24], [sflag:$0x1] =	stream.indirect.gather [hbm4b:s3+s10], $0x1, s23, s10, $0xb8;
	[tilespmem:$0x2600] =	vst v63  }
0x41: {  	_ = 	snop  }
0x42: {  	[tilespmem:s26], [sflag:$0x1] =	stream.indirect.gather [hbm4b:s3+s10], $0x1, s25, s10, $0xb8;
	[tilespmem:$0x2600] =	vst v63  }
0x43: {  	_ =	swait.ge [sflag:s28], $0x80  }
0x44: {  	[sflag:s28] =	ssyncset.done $0x0  }
0x45: {  	[sflag:s28] =	ssyncadd.s32 $0xFFFFFF80  }
0x46: {  	_ =	swait.ge [sflag:s28], $0x80  }
0x47: {  	[sflag:s28] =	ssyncset.done $0x0  }
0x48: {  	[sflag:s28] =	ssyncadd.s32 $0xFFFFFF80  }
0x49: {  	_ =	swait.ge [sflag:s28], $0x80  }
0x4a: {  	[sflag:s28] =	ssyncset.done $0x0  }
0x4b: {  	[sflag:s28] =	ssyncadd.s32 $0xFFFFFF80  }
0x4c: {  	_ =	swait.ge [sflag:s28], $0x80  }
0x4d: {  	[sflag:s28] =	ssyncset.done $0x0  }
0x4e: {  	[sflag:s28] =	ssyncadd.s32 $0xFFFFFF80  }
0x4f: {  	_ =	swait.ge [sflag:s28], $0x80  }
0x50: {  	[sflag:s28] =	ssyncset.done $0x0  }
0x51: {  	[sflag:s28] =	ssyncadd.s32 $0xFFFFFF80  }
0x52: {  	_ =	swait.ge [sflag:s28], $0x80  }
0x53: {  	[sflag:s28] =	ssyncset.done $0x0  }
0x54: {  	[sflag:s28] =	ssyncadd.s32 $0xFFFFFF80  }
0x55: {  	_ =	swait.ge [sflag:s28], $0x80  }
0x56: {  	[sflag:s28] =	ssyncset.done $0x0  }
0x57: {  	[sflag:s28] =	ssyncadd.s32 $0xFFFFFF80  }
0x58: {  	_ =	swait.ge [sflag:s28], $0x80  }
0x59: {  	[sflag:s28] =	ssyncset.done $0x0  }
0x5a: {  	s15 =	simm.s32 $0x0;
	[sflag:s28] =	ssyncadd.s32 $0xFFFFFF80  }
0x5b: {  	v3 =	vld [tilespmem:s15+$0x1800]  }
0x5c: {  	v4 =	vld [tilespmem:s15+$0x1A00]  }
0x5d: {  	v5 =	vld [tilespmem:s15+$0x1600];
	_ =	sdelay $0x3  }
0x5e: {  	v6 =	vld [tilespmem:s15+$0x2000]  }
0x5f: {  	v7 =	vld [tilespmem:s15+$0x2200]  }
0x60: {  	v3 =	vld.idx.msk [tilespmem:v3+s2+$0x0], $0xffff  }
0x61: {  	v4 =	vld.idx.msk [tilespmem:v4+s2+$0x0], $0xffff  }
0x62: {  	v5 =	vld.idx.msk [tilespmem:v5+s2+$0x0], $0xffff;
	_ =	sdelay $0x3  }
0x63: {  	v6 =	vadd.f32 v6, v6;
	v7 =	vadd.f32 v7, v7  }
0x64: {  	v3 =	vadd.f32 v3, v5;
	v4 =	vadd.f32 v4, v5;
	_ =	sdelay $0x1  }
0x65: {  	v3 =	vsub.f32 v3, v6;
	v4 =	vsub.f32 v4, v7  }
0x66: {  	s31 =	simm.s32 $0x0  }
0x67: {  	s16 =	sand.u32 $0x600, s31;
	v3 =	vmax.f32 v3, $0.0e+00;
	v4 =	vmax.f32 v4, $0.0e+00  }
0x68: {  	s17 =	sand.u32 $0x70, s31;
	s0 =	sshrl.u32 s16, $0x2;
	v3 =	vsub.f32 v3, v4  }
0x69: {  	s0 =	sor.u32 s17, s0  }
0x6a: {  	s12 =	simm.s32 $0x10;
	[tilespmem:s0+$0x2400] =	vst v3  }
0x6b: {  	v3 =	vld [tilespmem:s12+$0x1800]  }
0x6c: {  	s1 =	simm.s32 $0x40;
	s0 =	simm.s32 $0x80;
	v4 =	vld [tilespmem:s12+$0x1A00]  }
.LBB2_4:
0x6d: {  	p0 =	sne.s32 s0, $0x7C0;
	v5 =	vld [tilespmem:s12+$0x1600];
	_ =	sdelay $0x3  }
0x6e: {  	v6 =	vld [tilespmem:s12+$0x2000]  }
0x6f: {  	v7 =	vld [tilespmem:s12+$0x2200]  }
0x70: {  	v3 =	vld.idx.msk [tilespmem:v3+s2+$0x0], $0xffff  }
0x71: {  	v4 =	vld.idx.msk [tilespmem:v4+s2+$0x0], $0xffff  }
0x72: {  	v5 =	vld.idx.msk [tilespmem:v5+s2+$0x0], $0xffff;
	_ =	sdelay $0x4  }
0x73: {  	v6 =	vadd.f32 v6, v6;
	v7 =	vadd.f32 v7, v7  }
0x74: {  	v3 =	vadd.f32 v3, v5;
	v4 =	vadd.f32 v4, v5;
	_ =	sdelay $0x1  }
0x75: {  	v3 =	vsub.f32 v3, v6;
	v4 =	vsub.f32 v4, v7;
	_ =	sdelay $0x1  }
0x76: {  	s31 =	sadd.s32 $0x10, s31;
	s12 =	sand.u32 $0x600, s1;
	s1 =	smov.u32 s0;
	v3 =	vmax.f32 v3, $0.0e+00;
	v4 =	vmax.f32 v4, $0.0e+00  }
.Ltmp1:
0x77: {  	s13 =	sand.u32 $0x70, s31;
	s12 =	sshrl.u32 s12, $0x2;
	v3 =	vsub.f32 v3, v4;
	(pc) =	sbr.rel @p0 .LBB2_4-.Ltmp1, $4  }
0x78: {  	s13 =	sor.u32 s13, s12  }
0x79: {  	s12 =	sshra.s32 s0, $0x2;
	[tilespmem:s13+$0x2400] =	vst v3  }
0x7a: {  	v3 =	vld [tilespmem:s12+$0x1800]  }
0x7b: {  	s0 =	sadd.s32 $0x40, s0;
	v4 =	vld [tilespmem:s12+$0x1A00]  }
0x7c: {  	_ = 	snop  }
0x7d: {  	v5 =	vld [tilespmem:s12+$0x1600];
	_ =	sdelay $0x3  }
0x7e: {  	v6 =	vld [tilespmem:s12+$0x2000]  }
0x7f: {  	v7 =	vld [tilespmem:s12+$0x2200]  }
0x80: {  	v3 =	vld.idx.msk [tilespmem:v3+s2+$0x0], $0xffff  }
0x81: {  	v4 =	vld.idx.msk [tilespmem:v4+s2+$0x0], $0xffff  }
0x82: {  	v5 =	vld.idx.msk [tilespmem:v5+s2+$0x0], $0xffff;
	_ =	sdelay $0x3  }
0x83: {  	v6 =	vadd.f32 v6, v6;
	v7 =	vadd.f32 v7, v7  }
0x84: {  	v3 =	vadd.f32 v3, v5;
	v4 =	vadd.f32 v4, v5;
	_ =	sdelay $0x1  }
0x85: {  	v3 =	vsub.f32 v3, v6;
	v4 =	vsub.f32 v4, v7;
	_ =	sdelay $0x1  }
0x86: {  	s0 =	sand.u32 $0x600, s1;
	s31 =	sadd.s32 $0x10, s31;
	v3 =	vmax.f32 v3, $0.0e+00;
	v4 =	vmax.f32 v4, $0.0e+00  }
0x87: {  	s30 =	sadd.s32 $0x1, s30;
	s1 =	sand.u32 $0x70, s31;
	s0 =	sshrl.u32 s0, $0x2;
	v3 =	vsub.f32 v3, v4  }
0x88: {  	p0 =	sne.s32 s30, s7;
	s0 =	sor.u32 s1, s0  }
.Ltmp2:
0x89: {  	[tilespmem:s0+$0x2400] =	vst v3;
	(pc) =	sbr.rel @p0 .LBB2_1-.Ltmp2, $4  }
0x8a: {  	[hbm4b:s6+s2] =	stream.linear.scatter [tilespmem:s29], [sflag:$0x2], $0x200, $0x38;
	[tilespmem:$0x2600] =	vst v63  }
0x8b: {  	_ =	swait.ge [sflag:s8], $0x200  }
0x8c: {  	[sflag:s8] =	ssyncset.done $0x0  }
0x8d: {  	[sflag:s8] =	ssyncadd.s32 $0xFFFFFE00  }
0x8e: {  	_ =	sfence.sel $0x180000  }
0x8f: {  	[bflag:$0x0] =	sbarrier.arrive $0xFFFF  }
0x90: {  	_ =	strace $0x90000047  }
0x91: {  	s0 =	stileid.u32;
	[bflag:$0x2] =	sbarrier.arrive $0xFFFF  }
0x92: {  	p0 =	sne.s32 s0, $0x0;
	s0 =	rddreg [dreg:$0x1]  }
0x93: {  	s0 =	sadd.s32 @!p0 $0x100000, s0  }
0x94: {  	[sflag:s0] =	ssyncadd.tile.s32 @!p0 $0x1;
	_ =	shalt  }
.Lfunc_end2:
_tile_overlayer_lowered:
.L_overlay_start_2:
0x95: {  	(tag) =	ssettag $0x2  }
0x96: {  	s0 =	rddreg [dreg:$0x0];
	s2 =	stileid.u32  }
0x97: {  	s1 =	rddreg [dreg:$0x1];
	p0 =	sne.s32 s2, $0x0  }
0x98: {  	s3 =	rddreg [dreg:$0x2];
	[bflag:$0x3] =	sbarrier.arrive $0xFFFF;
	s2 =	simm.s32 @!p0 $0x1C02  }
0x99: {  	[timem:s3], [sflag:s2] =	dma.local @!p0 [hbm:s0], s1  }
0x9a: {  	s0 =	simm.s32 @!p0 $0x2  }
0x9b: {  	_ =	swait.ge @!p0 [sflag:s0], s1  }
0x9c: {  	s1 =	ssub.s32 @!p0 $0x0, s1;
	[sflag:s0] =	ssyncset.done @!p0 $0x0  }
0x9d: {  	[sflag:s0] =	ssyncadd.s32 @!p0 s1  }
0x9e: {  	[bflag:$0x3] =	sbarrier.arrive $0xFFFF  }
0x9f: {  	_ =	shalt  }

</sc_bundles>
